<compile_context>
chip_gen: v7x
topology: tpu7x:2x2x1
jax: 0.10.2.dev20260603
libtpu: 0.0.44.dev20260713+nightly
codegen_flags: <defaults>
</compile_context>

<pallas_src>
import jax
import jax.numpy as jnp
from jax import lax
from jax.experimental import pallas as pl
from jax.experimental.pallas import tpu as pltpu
from jax.experimental.pallas import tpu_sc as plsc

NUM_CORES = 1
NUM_SUBCORES = 16
NUM_WORKERS = NUM_CORES * NUM_SUBCORES
LANES = 16
BATCH = 16384
PER_WORKER = BATCH // NUM_WORKERS
HALF = PER_WORKER // 2


def _sc_body(idx_hbm, loss_hbm, sigma_hbm, sl_hbm, sel_hbm,
             idx_v, loss_v, sel_v, sl_v, sem_g0, sem_g1, sem_l, sem_o):
    wid = lax.axis_index("s") * NUM_CORES + lax.axis_index("c")
    base = wid * PER_WORKER

    loss_cp = pltpu.async_copy(loss_hbm.at[pl.ds(base, PER_WORKER)], loss_v,
                               sem_l)
    i0 = pltpu.async_copy(idx_hbm.at[pl.ds(base, HALF)],
                          idx_v.at[pl.ds(0, HALF)], sem_g0)
    i1 = pltpu.async_copy(idx_hbm.at[pl.ds(base + HALF, HALF)],
                          idx_v.at[pl.ds(HALF, HALF)], sem_g1)
    i0.wait()
    g0 = pltpu.async_copy(sigma_hbm.at[idx_v.at[pl.ds(0, HALF)]],
                          sel_v.at[pl.ds(0, HALF)], sem_g0)
    i1.wait()
    g1 = pltpu.async_copy(sigma_hbm.at[idx_v.at[pl.ds(HALF, HALF)]],
                          sel_v.at[pl.ds(HALF, HALF)], sem_g1)
    loss_cp.wait()
    g0.wait()
    o1 = pltpu.async_copy(sel_v.at[pl.ds(0, HALF)],
                          sel_hbm.at[pl.ds(base, HALF)], sem_o)

    @pl.loop(0, HALF, step=LANES)
    def _(c0):
        sl_v[pl.ds(c0, LANES)] = sel_v[pl.ds(c0, LANES)] * loss_v[pl.ds(c0, LANES)]

    o0 = pltpu.async_copy(sl_v.at[pl.ds(0, HALF)],
                          sl_hbm.at[pl.ds(base, HALF)], sem_o)
    g1.wait()
    o3 = pltpu.async_copy(sel_v.at[pl.ds(HALF, HALF)],
                          sel_hbm.at[pl.ds(base + HALF, HALF)], sem_o)

    @pl.loop(HALF, PER_WORKER, step=LANES)
    def _(c0):
        sl_v[pl.ds(c0, LANES)] = sel_v[pl.ds(c0, LANES)] * loss_v[pl.ds(c0, LANES)]

    o2 = pltpu.async_copy(sl_v.at[pl.ds(HALF, HALF)],
                          sl_hbm.at[pl.ds(base + HALF, HALF)], sem_o)
    o0.wait()
    o1.wait()
    o2.wait()
    o3.wait()


def kernel(loss, basin_idx, sigma):
    idx = basin_idx.astype(jnp.int32)

    mesh = plsc.VectorSubcoreMesh(
        core_axis_name="c", subcore_axis_name="s",
        num_cores=NUM_CORES, num_subcores=NUM_SUBCORES,
    )
    out_type = (
        jax.ShapeDtypeStruct((BATCH,), jnp.float32),
        jax.ShapeDtypeStruct((BATCH,), jnp.float32),
    )
    scratch = [
        pltpu.VMEM((PER_WORKER,), jnp.int32),
        pltpu.VMEM((PER_WORKER,), jnp.float32),
        pltpu.VMEM((PER_WORKER,), jnp.float32),
        pltpu.VMEM((PER_WORKER,), jnp.float32),
        pltpu.SemaphoreType.DMA,
        pltpu.SemaphoreType.DMA,
        pltpu.SemaphoreType.DMA,
        pltpu.SemaphoreType.DMA,
    ]
    superloss, sel = pl.kernel(
        _sc_body, out_type=out_type, mesh=mesh, scratch_types=scratch,
    )(idx, loss, sigma)
    return superloss, sel

# --- scband reference (transcript-rebuilt; emitter-appended) ---
"""Pipeline reference for scband-basin-aware-super-loss-87385404605050 (READ-ONLY COPY).

The authoritative reference and input builder live on the scoring server;
editing this copy changes nothing except your own understanding.
"""

import jax, jax.numpy as jnp
import numpy as np

N_BASINS = 1000000
BATCH = 16384


def setup_inputs(seed: int = 0) -> dict:
    key = jax.random.key(seed)
    k1, k2 = jax.random.split(key)
    loss = jax.random.uniform(k1, (BATCH,), dtype=jnp.float32)
    basin_idx = jax.random.randint(k2, (BATCH,), 0, N_BASINS, dtype=jnp.int64) if jax.config.jax_enable_x64 else jax.random.randint(k2, (BATCH,), 0, N_BASINS, dtype=jnp.int32)
    # learned/buffer state: sigma initialized to ones per module __init__
    sigma = jnp.ones((N_BASINS,), dtype=jnp.float32)
    return {"loss": loss, "basin_idx": basin_idx, "sigma": sigma}


def reference(loss, basin_idx, sigma):
    # torch.index_select(self.sigma, 0, basin_idx) -> gather rows of sigma
    sigma_sel = jnp.take(sigma, basin_idx, axis=0)
    superloss = sigma_sel * loss
    return (superloss, sigma_sel)

if __name__ == "__main__":
    import jax
    _d = setup_inputs()
    print(jax.jit(kernel)(*tuple(_d.values())))

</pallas_src>

<mosaic_0001>
#map = affine_map<(d0, d1) -> (0)>
module attributes {stable_mosaic.version = 14 : i64} {
  func.func @_sc_body(%arg0: i32, %arg1: i32, %arg2: memref<16384xi32, #tpu.memory_space<hbm>>, %arg3: memref<16384xf32, #tpu.memory_space<hbm>>, %arg4: memref<1000000xf32, #tpu.memory_space<hbm>>, %arg5: memref<16384xf32, #tpu.memory_space<hbm>>, %arg6: memref<16384xf32, #tpu.memory_space<hbm>>, %arg7: memref<1024xi32, #tpu.memory_space<vmem>>, %arg8: memref<1024xf32, #tpu.memory_space<vmem>>, %arg9: memref<1024xf32, #tpu.memory_space<vmem>>, %arg10: memref<1024xf32, #tpu.memory_space<vmem>>, %arg11: memref<!tpu.dma_semaphore, #tpu.memory_space<semaphore_mem>>, %arg12: memref<!tpu.dma_semaphore, #tpu.memory_space<semaphore_mem>>, %arg13: memref<!tpu.dma_semaphore, #tpu.memory_space<semaphore_mem>>, %arg14: memref<!tpu.dma_semaphore, #tpu.memory_space<semaphore_mem>>) attributes {dimension_semantics = [#tpu.dimension_semantics<core_parallel>, #tpu.dimension_semantics<subcore_parallel>], iteration_bounds = array<i64: 1, 16>, scalar_prefetch = 0 : i64, scratch_operands = 8 : i64, tpu.core_type = #tpu.core_type<sc_vector_subcore>, window_params = [{transform_indices = #map}, {transform_indices = #map}, {transform_indices = #map}, {transform_indices = #map}, {transform_indices = #map}]} {
    %mul3A = arith.constant 1 : i32
    %mul3A_0 = arith.muli %arg1, %mul3A : i32
    %add3A = arith.addi %mul3A_0, %arg0 : i32
    %mul3A_1 = arith.constant 1024 : i32
    %mul3A_2 = arith.muli %add3A, %mul3A_1 : i32
    %dma_start3A = tpu.memref_slice %arg3[%mul3A_2] : memref<16384xf32, #tpu.memory_space<hbm>> -> memref<1024xf32, #tpu.memory_space<hbm>>
    %dma_start3A_3 = tpu.memref_slice %arg3[%mul3A_2] : memref<16384xf32, #tpu.memory_space<hbm>> -> memref<1024xf32, #tpu.memory_space<hbm>>
    tpu.enqueue_dma source(%dma_start3A_3 : memref<1024xf32, #tpu.memory_space<hbm>>) target(%arg8 : memref<1024xf32, #tpu.memory_space<vmem>>) target_semaphore(%arg13 : memref<!tpu.dma_semaphore, #tpu.memory_space<semaphore_mem>>)
    %dma_start3A_4 = arith.constant 0 : i32
    %dma_start3A_5 = tpu.memref_slice %arg7[%dma_start3A_4] : memref<1024xi32, #tpu.memory_space<vmem>> -> memref<512xi32, #tpu.memory_space<vmem>>
    %dma_start3A_6 = tpu.memref_slice %arg2[%mul3A_2] : memref<16384xi32, #tpu.memory_space<hbm>> -> memref<512xi32, #tpu.memory_space<hbm>>
    %dma_start3A_7 = arith.constant 0 : i32
    %dma_start3A_8 = tpu.memref_slice %arg7[%dma_start3A_7] : memref<1024xi32, #tpu.memory_space<vmem>> -> memref<512xi32, #tpu.memory_space<vmem>>
    %dma_start3A_9 = tpu.memref_slice %arg2[%mul3A_2] : memref<16384xi32, #tpu.memory_space<hbm>> -> memref<512xi32, #tpu.memory_space<hbm>>
    tpu.enqueue_dma source(%dma_start3A_9 : memref<512xi32, #tpu.memory_space<hbm>>) target(%dma_start3A_8 : memref<512xi32, #tpu.memory_space<vmem>>) target_semaphore(%arg11 : memref<!tpu.dma_semaphore, #tpu.memory_space<semaphore_mem>>)
    %add3A_10 = arith.constant 512 : i32
    %add3A_11 = arith.addi %mul3A_2, %add3A_10 : i32
    %dma_start3A_12 = arith.constant 512 : i32
    %dma_start3A_13 = tpu.memref_slice %arg7[%dma_start3A_12] : memref<1024xi32, #tpu.memory_space<vmem>> -> memref<512xi32, #tpu.memory_space<vmem>>
    %dma_start3A_14 = tpu.memref_slice %arg2[%add3A_11] : memref<16384xi32, #tpu.memory_space<hbm>> -> memref<512xi32, #tpu.memory_space<hbm>>
    %dma_start3A_15 = arith.constant 512 : i32
    %dma_start3A_16 = tpu.memref_slice %arg7[%dma_start3A_15] : memref<1024xi32, #tpu.memory_space<vmem>> -> memref<512xi32, #tpu.memory_space<vmem>>
    %dma_start3A_17 = tpu.memref_slice %arg2[%add3A_11] : memref<16384xi32, #tpu.memory_space<hbm>> -> memref<512xi32, #tpu.memory_space<hbm>>
    tpu.enqueue_dma source(%dma_start3A_17 : memref<512xi32, #tpu.memory_space<hbm>>) target(%dma_start3A_16 : memref<512xi32, #tpu.memory_space<vmem>>) target_semaphore(%arg12 : memref<!tpu.dma_semaphore, #tpu.memory_space<semaphore_mem>>)
    %dma_wait3A = arith.constant 0 : i32
    %dma_wait3A_18 = tpu.memref_slice %arg7[%dma_wait3A] : memref<1024xi32, #tpu.memory_space<vmem>> -> memref<512xi32, #tpu.memory_space<vmem>>
    %dma_wait3A_19 = tpu.memref_slice %arg2[%mul3A_2] : memref<16384xi32, #tpu.memory_space<hbm>> -> memref<512xi32, #tpu.memory_space<hbm>>
    %dma_wait3A_20 = arith.constant 0 : i32
    %dma_wait3A_21 = tpu.memref_slice %arg7[%dma_wait3A_20] : memref<1024xi32, #tpu.memory_space<vmem>> -> memref<512xi32, #tpu.memory_space<vmem>>
    %dma_wait3A_22 = tpu.memref_slice %arg2[%mul3A_2] : memref<16384xi32, #tpu.memory_space<hbm>> -> memref<512xi32, #tpu.memory_space<hbm>>
    tpu.wait_dma2 semaphore(%arg11 : memref<!tpu.dma_semaphore, #tpu.memory_space<semaphore_mem>>) src(%dma_wait3A_22 : memref<512xi32, #tpu.memory_space<hbm>>) dst(%dma_wait3A_21 : memref<512xi32, #tpu.memory_space<vmem>>)
    %dma_start3A_23 = arith.constant 0 : i32
    %dma_start3A_24 = tpu.memref_slice %arg9[%dma_start3A_23] : memref<1024xf32, #tpu.memory_space<vmem>> -> memref<512xf32, #tpu.memory_space<vmem>>
    %dma_start3A_25 = arith.constant 0 : i32
    %dma_start3A_26 = tpu.memref_slice %arg7[%dma_start3A_25] : memref<1024xi32, #tpu.memory_space<vmem>> -> memref<512xi32, #tpu.memory_space<vmem>>
    %dma_start3A_27 = arith.constant 0 : i32
    %dma_start3A_28 = tpu.memref_slice %arg4[%dma_start3A_27] : memref<1000000xf32, #tpu.memory_space<hbm>> -> memref<1000000xf32, #tpu.memory_space<hbm>>
    tpu.enqueue_indirect_dma source(%dma_start3A_28 : memref<1000000xf32, #tpu.memory_space<hbm>>) target(%dma_start3A_24 : memref<512xf32, #tpu.memory_space<vmem>>) offsets(%dma_start3A_26 : memref<512xi32, #tpu.memory_space<vmem>>) semaphore(%arg11 : memref<!tpu.dma_semaphore, #tpu.memory_space<semaphore_mem>>)
    %dma_wait3A_29 = arith.constant 512 : i32
    %dma_wait3A_30 = tpu.memref_slice %arg7[%dma_wait3A_29] : memref<1024xi32, #tpu.memory_space<vmem>> -> memref<512xi32, #tpu.memory_space<vmem>>
    %dma_wait3A_31 = tpu.memref_slice %arg2[%add3A_11] : memref<16384xi32, #tpu.memory_space<hbm>> -> memref<512xi32, #tpu.memory_space<hbm>>
    %dma_wait3A_32 = arith.constant 512 : i32
    %dma_wait3A_33 = tpu.memref_slice %arg7[%dma_wait3A_32] : memref<1024xi32, #tpu.memory_space<vmem>> -> memref<512xi32, #tpu.memory_space<vmem>>
    %dma_wait3A_34 = tpu.memref_slice %arg2[%add3A_11] : memref<16384xi32, #tpu.memory_space<hbm>> -> memref<512xi32, #tpu.memory_space<hbm>>
    tpu.wait_dma2 semaphore(%arg12 : memref<!tpu.dma_semaphore, #tpu.memory_space<semaphore_mem>>) src(%dma_wait3A_34 : memref<512xi32, #tpu.memory_space<hbm>>) dst(%dma_wait3A_33 : memref<512xi32, #tpu.memory_space<vmem>>)
    %dma_start3A_35 = arith.constant 512 : i32
    %dma_start3A_36 = tpu.memref_slice %arg9[%dma_start3A_35] : memref<1024xf32, #tpu.memory_space<vmem>> -> memref<512xf32, #tpu.memory_space<vmem>>
    %dma_start3A_37 = arith.constant 512 : i32
    %dma_start3A_38 = tpu.memref_slice %arg7[%dma_start3A_37] : memref<1024xi32, #tpu.memory_space<vmem>> -> memref<512xi32, #tpu.memory_space<vmem>>
    %dma_start3A_39 = arith.constant 0 : i32
    %dma_start3A_40 = tpu.memref_slice %arg4[%dma_start3A_39] : memref<1000000xf32, #tpu.memory_space<hbm>> -> memref<1000000xf32, #tpu.memory_space<hbm>>
    tpu.enqueue_indirect_dma source(%dma_start3A_40 : memref<1000000xf32, #tpu.memory_space<hbm>>) target(%dma_start3A_36 : memref<512xf32, #tpu.memory_space<vmem>>) offsets(%dma_start3A_38 : memref<512xi32, #tpu.memory_space<vmem>>) semaphore(%arg12 : memref<!tpu.dma_semaphore, #tpu.memory_space<semaphore_mem>>)
    %dma_wait3A_41 = tpu.memref_slice %arg3[%mul3A_2] : memref<16384xf32, #tpu.memory_space<hbm>> -> memref<1024xf32, #tpu.memory_space<hbm>>
    %dma_wait3A_42 = tpu.memref_slice %arg3[%mul3A_2] : memref<16384xf32, #tpu.memory_space<hbm>> -> memref<1024xf32, #tpu.memory_space<hbm>>
    tpu.wait_dma2 semaphore(%arg13 : memref<!tpu.dma_semaphore, #tpu.memory_space<semaphore_mem>>) src(%dma_wait3A_42 : memref<1024xf32, #tpu.memory_space<hbm>>) dst(%arg8 : memref<1024xf32, #tpu.memory_space<vmem>>)
    %dma_wait3A_43 = arith.constant 0 : i32
    %dma_wait3A_44 = tpu.memref_slice %arg9[%dma_wait3A_43] : memref<1024xf32, #tpu.memory_space<vmem>> -> memref<512xf32, #tpu.memory_space<vmem>>
    %dma_wait3A_45 = arith.constant 0 : i32
    %dma_wait3A_46 = tpu.memref_slice %arg7[%dma_wait3A_45] : memref<1024xi32, #tpu.memory_space<vmem>> -> memref<512xi32, #tpu.memory_space<vmem>>
    %dma_wait3A_47 = arith.constant 0 : i32
    %dma_wait3A_48 = tpu.memref_slice %arg4[%dma_wait3A_47] : memref<1000000xf32, #tpu.memory_space<hbm>> -> memref<1000000xf32, #tpu.memory_space<hbm>>
    tpu.wait_indirect_dma semaphore(%arg11 : memref<!tpu.dma_semaphore, #tpu.memory_space<semaphore_mem>>) src(%dma_wait3A_48 : memref<1000000xf32, #tpu.memory_space<hbm>>) dst(%dma_wait3A_44 : memref<512xf32, #tpu.memory_space<vmem>>)
    %dma_start3A_49 = arith.constant 0 : i32
    %dma_start3A_50 = tpu.memref_slice %arg9[%dma_start3A_49] : memref<1024xf32, #tpu.memory_space<vmem>> -> memref<512xf32, #tpu.memory_space<vmem>>
    %dma_start3A_51 = tpu.memref_slice %arg6[%mul3A_2] : memref<16384xf32, #tpu.memory_space<hbm>> -> memref<512xf32, #tpu.memory_space<hbm>>
    %dma_start3A_52 = tpu.memref_slice %arg6[%mul3A_2] : memref<16384xf32, #tpu.memory_space<hbm>> -> memref<512xf32, #tpu.memory_space<hbm>>
    %dma_start3A_53 = arith.constant 0 : i32
    %dma_start3A_54 = tpu.memref_slice %arg9[%dma_start3A_53] : memref<1024xf32, #tpu.memory_space<vmem>> -> memref<512xf32, #tpu.memory_space<vmem>>
    tpu.enqueue_dma source(%dma_start3A_54 : memref<512xf32, #tpu.memory_space<vmem>>) target(%dma_start3A_52 : memref<512xf32, #tpu.memory_space<hbm>>) target_semaphore(%arg14 : memref<!tpu.dma_semaphore, #tpu.memory_space<semaphore_mem>>)
    %scan3A = arith.constant 0 : i32
    %scan3A_55 = arith.constant 32 : i32
    %scan3A_56 = arith.addi %scan3A, %scan3A_55 : i32
    %scan3A_57 = arith.constant 1 : i32
    scf.for %scan3A_116 = %scan3A to %scan3A_56 step %scan3A_57  : i32 {
      %mul3A_117 = arith.constant 16 : i32
      %mul3A_118 = arith.muli %scan3A_116, %mul3A_117 : i32
      %add3A_119 = arith.constant 0 : i32
      %add3A_120 = arith.addi %add3A_119, %mul3A_118 : i32
      %get3A = arith.index_cast %add3A_120 : i32 to index
      %get3A_121 = tpu.vector_load %arg9[%get3A] {strides = array<i32>} : memref<1024xf32, #tpu.memory_space<vmem>>, vector<16xf32>,
      %get3A_122 = vector.shape_cast %get3A_121 : vector<16xf32> to vector<16xf32>
      %get3A_123 = arith.index_cast %add3A_120 : i32 to index
      %get3A_124 = tpu.vector_load %arg8[%get3A_123] {strides = array<i32>} : memref<1024xf32, #tpu.memory_space<vmem>>, vector<16xf32>,
      %get3A_125 = vector.shape_cast %get3A_124 : vector<16xf32> to vector<16xf32>
      %mul3A_126 = arith.mulf %get3A_122, %get3A_125 : vector<16xf32>
      %swap3A = arith.index_cast %add3A_120 : i32 to index
      %swap3A_127 = tpu.vector_load %arg10[%swap3A] {strides = array<i32>} : memref<1024xf32, #tpu.memory_space<vmem>>, vector<16xf32>,
      %swap3A_128 = vector.shape_cast %swap3A_127 : vector<16xf32> to vector<16xf32>
      %swap3A_129 = vector.shape_cast %mul3A_126 : vector<16xf32> to vector<16xf32>
      tpu.vector_store %arg10[%swap3A], %swap3A_129 {strides = array<i32>} : memref<1024xf32, #tpu.memory_space<vmem>>, vector<16xf32>,
    }
    %scan3A_58 = arith.constant 32 : i32
    %dma_start3A_59 = arith.constant 0 : i32
    %dma_start3A_60 = tpu.memref_slice %arg10[%dma_start3A_59] : memref<1024xf32, #tpu.memory_space<vmem>> -> memref<512xf32, #tpu.memory_space<vmem>>
    %dma_start3A_61 = tpu.memref_slice %arg5[%mul3A_2] : memref<16384xf32, #tpu.memory_space<hbm>> -> memref<512xf32, #tpu.memory_space<hbm>>
    %dma_start3A_62 = tpu.memref_slice %arg5[%mul3A_2] : memref<16384xf32, #tpu.memory_space<hbm>> -> memref<512xf32, #tpu.memory_space<hbm>>
    %dma_start3A_63 = arith.constant 0 : i32
    %dma_start3A_64 = tpu.memref_slice %arg10[%dma_start3A_63] : memref<1024xf32, #tpu.memory_space<vmem>> -> memref<512xf32, #tpu.memory_space<vmem>>
    tpu.enqueue_dma source(%dma_start3A_64 : memref<512xf32, #tpu.memory_space<vmem>>) target(%dma_start3A_62 : memref<512xf32, #tpu.memory_space<hbm>>) target_semaphore(%arg14 : memref<!tpu.dma_semaphore, #tpu.memory_space<semaphore_mem>>)
    %dma_wait3A_65 = arith.constant 512 : i32
    %dma_wait3A_66 = tpu.memref_slice %arg9[%dma_wait3A_65] : memref<1024xf32, #tpu.memory_space<vmem>> -> memref<512xf32, #tpu.memory_space<vmem>>
    %dma_wait3A_67 = arith.constant 512 : i32
    %dma_wait3A_68 = tpu.memref_slice %arg7[%dma_wait3A_67] : memref<1024xi32, #tpu.memory_space<vmem>> -> memref<512xi32, #tpu.memory_space<vmem>>
    %dma_wait3A_69 = arith.constant 0 : i32
    %dma_wait3A_70 = tpu.memref_slice %arg4[%dma_wait3A_69] : memref<1000000xf32, #tpu.memory_space<hbm>> -> memref<1000000xf32, #tpu.memory_space<hbm>>
    tpu.wait_indirect_dma semaphore(%arg12 : memref<!tpu.dma_semaphore, #tpu.memory_space<semaphore_mem>>) src(%dma_wait3A_70 : memref<1000000xf32, #tpu.memory_space<hbm>>) dst(%dma_wait3A_66 : memref<512xf32, #tpu.memory_space<vmem>>)
    %add3A_71 = arith.constant 512 : i32
    %add3A_72 = arith.addi %mul3A_2, %add3A_71 : i32
    %dma_start3A_73 = arith.constant 512 : i32
    %dma_start3A_74 = tpu.memref_slice %arg9[%dma_start3A_73] : memref<1024xf32, #tpu.memory_space<vmem>> -> memref<512xf32, #tpu.memory_space<vmem>>
    %dma_start3A_75 = tpu.memref_slice %arg6[%add3A_72] : memref<16384xf32, #tpu.memory_space<hbm>> -> memref<512xf32, #tpu.memory_space<hbm>>
    %dma_start3A_76 = tpu.memref_slice %arg6[%add3A_72] : memref<16384xf32, #tpu.memory_space<hbm>> -> memref<512xf32, #tpu.memory_space<hbm>>
    %dma_start3A_77 = arith.constant 512 : i32
    %dma_start3A_78 = tpu.memref_slice %arg9[%dma_start3A_77] : memref<1024xf32, #tpu.memory_space<vmem>> -> memref<512xf32, #tpu.memory_space<vmem>>
    tpu.enqueue_dma source(%dma_start3A_78 : memref<512xf32, #tpu.memory_space<vmem>>) target(%dma_start3A_76 : memref<512xf32, #tpu.memory_space<hbm>>) target_semaphore(%arg14 : memref<!tpu.dma_semaphore, #tpu.memory_space<semaphore_mem>>)
    %scan3A_79 = arith.constant 0 : i32
    %scan3A_80 = arith.constant 32 : i32
    %scan3A_81 = arith.addi %scan3A_79, %scan3A_80 : i32
    %scan3A_82 = arith.constant 1 : i32
    scf.for %scan3A_116 = %scan3A_79 to %scan3A_81 step %scan3A_82  : i32 {
      %mul3A_117 = arith.constant 16 : i32
      %mul3A_118 = arith.muli %scan3A_116, %mul3A_117 : i32
      %add3A_119 = arith.constant 512 : i32
      %add3A_120 = arith.addi %add3A_119, %mul3A_118 : i32
      %get3A = arith.index_cast %add3A_120 : i32 to index
      %get3A_121 = tpu.vector_load %arg9[%get3A] {strides = array<i32>} : memref<1024xf32, #tpu.memory_space<vmem>>, vector<16xf32>,
      %get3A_122 = vector.shape_cast %get3A_121 : vector<16xf32> to vector<16xf32>
      %get3A_123 = arith.index_cast %add3A_120 : i32 to index
      %get3A_124 = tpu.vector_load %arg8[%get3A_123] {strides = array<i32>} : memref<1024xf32, #tpu.memory_space<vmem>>, vector<16xf32>,
      %get3A_125 = vector.shape_cast %get3A_124 : vector<16xf32> to vector<16xf32>
      %mul3A_126 = arith.mulf %get3A_122, %get3A_125 : vector<16xf32>
      %swap3A = arith.index_cast %add3A_120 : i32 to index
      %swap3A_127 = tpu.vector_load %arg10[%swap3A] {strides = array<i32>} : memref<1024xf32, #tpu.memory_space<vmem>>, vector<16xf32>,
      %swap3A_128 = vector.shape_cast %swap3A_127 : vector<16xf32> to vector<16xf32>
      %swap3A_129 = vector.shape_cast %mul3A_126 : vector<16xf32> to vector<16xf32>
      tpu.vector_store %arg10[%swap3A], %swap3A_129 {strides = array<i32>} : memref<1024xf32, #tpu.memory_space<vmem>>, vector<16xf32>,
    }
    %scan3A_83 = arith.constant 32 : i32
    %add3A_84 = arith.constant 512 : i32
    %add3A_85 = arith.addi %mul3A_2, %add3A_84 : i32
    %dma_start3A_86 = arith.constant 512 : i32
    %dma_start3A_87 = tpu.memref_slice %arg10[%dma_start3A_86] : memref<1024xf32, #tpu.memory_space<vmem>> -> memref<512xf32, #tpu.memory_space<vmem>>
    %dma_start3A_88 = tpu.memref_slice %arg5[%add3A_85] : memref<16384xf32, #tpu.memory_space<hbm>> -> memref<512xf32, #tpu.memory_space<hbm>>
    %dma_start3A_89 = tpu.memref_slice %arg5[%add3A_85] : memref<16384xf32, #tpu.memory_space<hbm>> -> memref<512xf32, #tpu.memory_space<hbm>>
    %dma_start3A_90 = arith.constant 512 : i32
    %dma_start3A_91 = tpu.memref_slice %arg10[%dma_start3A_90] : memref<1024xf32, #tpu.memory_space<vmem>> -> memref<512xf32, #tpu.memory_space<vmem>>
    tpu.enqueue_dma source(%dma_start3A_91 : memref<512xf32, #tpu.memory_space<vmem>>) target(%dma_start3A_89 : memref<512xf32, #tpu.memory_space<hbm>>) target_semaphore(%arg14 : memref<!tpu.dma_semaphore, #tpu.memory_space<semaphore_mem>>)
    %dma_wait3A_92 = arith.constant 0 : i32
    %dma_wait3A_93 = tpu.memref_slice %arg10[%dma_wait3A_92] : memref<1024xf32, #tpu.memory_space<vmem>> -> memref<512xf32, #tpu.memory_space<vmem>>
    %dma_wait3A_94 = tpu.memref_slice %arg5[%mul3A_2] : memref<16384xf32, #tpu.memory_space<hbm>> -> memref<512xf32, #tpu.memory_space<hbm>>
    %dma_wait3A_95 = tpu.memref_slice %arg5[%mul3A_2] : memref<16384xf32, #tpu.memory_space<hbm>> -> memref<512xf32, #tpu.memory_space<hbm>>
    %dma_wait3A_96 = arith.constant 0 : i32
    %dma_wait3A_97 = tpu.memref_slice %arg10[%dma_wait3A_96] : memref<1024xf32, #tpu.memory_space<vmem>> -> memref<512xf32, #tpu.memory_space<vmem>>
    tpu.wait_dma2 semaphore(%arg14 : memref<!tpu.dma_semaphore, #tpu.memory_space<semaphore_mem>>) src(%dma_wait3A_97 : memref<512xf32, #tpu.memory_space<vmem>>) dst(%dma_wait3A_95 : memref<512xf32, #tpu.memory_space<hbm>>)
    %dma_wait3A_98 = arith.constant 0 : i32
    %dma_wait3A_99 = tpu.memref_slice %arg9[%dma_wait3A_98] : memref<1024xf32, #tpu.memory_space<vmem>> -> memref<512xf32, #tpu.memory_space<vmem>>
    %dma_wait3A_100 = tpu.memref_slice %arg6[%mul3A_2] : memref<16384xf32, #tpu.memory_space<hbm>> -> memref<512xf32, #tpu.memory_space<hbm>>
    %dma_wait3A_101 = tpu.memref_slice %arg6[%mul3A_2] : memref<16384xf32, #tpu.memory_space<hbm>> -> memref<512xf32, #tpu.memory_space<hbm>>
    %dma_wait3A_102 = arith.constant 0 : i32
    %dma_wait3A_103 = tpu.memref_slice %arg9[%dma_wait3A_102] : memref<1024xf32, #tpu.memory_space<vmem>> -> memref<512xf32, #tpu.memory_space<vmem>>
    tpu.wait_dma2 semaphore(%arg14 : memref<!tpu.dma_semaphore, #tpu.memory_space<semaphore_mem>>) src(%dma_wait3A_103 : memref<512xf32, #tpu.memory_space<vmem>>) dst(%dma_wait3A_101 : memref<512xf32, #tpu.memory_space<hbm>>)
    %dma_wait3A_104 = arith.constant 512 : i32
    %dma_wait3A_105 = tpu.memref_slice %arg10[%dma_wait3A_104] : memref<1024xf32, #tpu.memory_space<vmem>> -> memref<512xf32, #tpu.memory_space<vmem>>
    %dma_wait3A_106 = tpu.memref_slice %arg5[%add3A_85] : memref<16384xf32, #tpu.memory_space<hbm>> -> memref<512xf32, #tpu.memory_space<hbm>>
    %dma_wait3A_107 = tpu.memref_slice %arg5[%add3A_85] : memref<16384xf32, #tpu.memory_space<hbm>> -> memref<512xf32, #tpu.memory_space<hbm>>
    %dma_wait3A_108 = arith.constant 512 : i32
    %dma_wait3A_109 = tpu.memref_slice %arg10[%dma_wait3A_108] : memref<1024xf32, #tpu.memory_space<vmem>> -> memref<512xf32, #tpu.memory_space<vmem>>
    tpu.wait_dma2 semaphore(%arg14 : memref<!tpu.dma_semaphore, #tpu.memory_space<semaphore_mem>>) src(%dma_wait3A_109 : memref<512xf32, #tpu.memory_space<vmem>>) dst(%dma_wait3A_107 : memref<512xf32, #tpu.memory_space<hbm>>)
    %dma_wait3A_110 = arith.constant 512 : i32
    %dma_wait3A_111 = tpu.memref_slice %arg9[%dma_wait3A_110] : memref<1024xf32, #tpu.memory_space<vmem>> -> memref<512xf32, #tpu.memory_space<vmem>>
    %dma_wait3A_112 = tpu.memref_slice %arg6[%add3A_72] : memref<16384xf32, #tpu.memory_space<hbm>> -> memref<512xf32, #tpu.memory_space<hbm>>
    %dma_wait3A_113 = tpu.memref_slice %arg6[%add3A_72] : memref<16384xf32, #tpu.memory_space<hbm>> -> memref<512xf32, #tpu.memory_space<hbm>>
    %dma_wait3A_114 = arith.constant 512 : i32
    %dma_wait3A_115 = tpu.memref_slice %arg9[%dma_wait3A_114] : memref<1024xf32, #tpu.memory_space<vmem>> -> memref<512xf32, #tpu.memory_space<vmem>>
    tpu.wait_dma2 semaphore(%arg14 : memref<!tpu.dma_semaphore, #tpu.memory_space<semaphore_mem>>) src(%dma_wait3A_115 : memref<512xf32, #tpu.memory_space<vmem>>) dst(%dma_wait3A_113 : memref<512xf32, #tpu.memory_space<hbm>>)
    return
  }
}

</mosaic_0001>

<sc_bundles>
// kernel: kernel.3.cloned.1.call-start
scs
__scs_entry_jumppad:
0x0: {  	(pc) =	sbr.rel $0x88, $3  }
0x1: {  	(tag) =	ssettag $0x0;
	lr =	simm.s32 $0x1  }
0x2: {  	[smem:$0x3F9E] =	sst lr;
	_ =	strace $0xD0000000  }
0x3: {  	_ = 	snop  }
0x4: {  	_ = 	snop  }
0x5: {  	_ = 	snop  }
0x6: {  	_ = 	snop  }
0x7: {  	_ = 	snop  }
__scs_overlays_trampoline_lowered:
0x8: {  	[smem:$0x3FAD] =	sst s0  }
0x9: {  	[smem:$0x3FAE] =	sst s1  }
0xa: {  	[smem:$0x3FAF] =	sst s2  }
0xb: {  	[smem:$0x3FB0] =	sst s3  }
0xc: {  	[smem:$0x3FB1] =	sst s4  }
0xd: {  	[smem:$0x3FB2] =	sst s5  }
0xe: {  	[smem:$0x3FB3] =	sst s6  }
0xf: {  	[smem:$0x3FB4] =	sst s7  }
0x10: {  	[smem:$0x3FB5] =	sst s8  }
0x11: {  	[smem:$0x3FB6] =	sst s9;
	s0 =	simm.s32 @!p0 $0x0  }
0x12: {  	s1 =	sld [smem:$0x3F9C];
	s0 =	simm.s32 @p0 $0x1  }
0x13: {  	[smem:$0x3FB7] =	sst s0;
	s0 =	simm.s32 @!p1 $0x0  }
0x14: {  	s2 =	sld [smem:$0x3F9B];
	s0 =	simm.s32 @p1 $0x1  }
0x15: {  	[smem:$0x3FB8] =	sst s0;
	s0 =	simm.s32 @!p2 $0x0  }
0x16: {  	s3 =	sld [smem:$0x3FDB];
	s0 =	simm.s32 @p2 $0x1  }
0x17: {  	s4 =	simm.s32 $0x1BF5;
	[smem:$0x3FBA] =	sst s0  }
0x18: {  	s0 =	sld [smem:$0x3F9D];
	_ =	swait.ge [sflag:s4], $0x0  }
0x19: {  	s7 =	sld [smem:$0x3F9E]  }
0x1a: {  	s8 =	sadd.s32 $0xFFFFE003, lr  }
0x1b: {  	s9 =	sadd.s32 $0xFFFFFEF7, lr;
	s5 =	simm.s32 $0xFFFFFFFF;
	p2 =	slt.u32 s8, $0xFFFFF086  }
0x1c: {  	p1 =	slt.u32 s9, $0xF7A;
	s5 =	simm.s32 @!p2 $0x0  }
0x1d: {  	s5 =	simm.s32 @p1 $0x1;
	p0 =	seq.s32 s7, s2  }
0x1e: {  	s7 =	smul.u32 @!p0 $0xF7A, s2;
	p2 =	seq.s32 @!p0 s5, $0x0  }
0x1f: {  	s9 =	smul.u32 $0xF7A, s1;
	s8 =	simm.s32 @!p0 $0x1BF5;
	p2 =	por !p2, p0  }
0x20: {  	[sflag:s8] =	ssyncset.s32 @!p0 $0xFFFFF086;
	s6 =	sadd.s32 @!p0 s3, s7;
	s7 =	simm.s32 @!p0 $0x108  }
0x21: {  	s3 =	sadd.s32 s3, s9;
	s6 =	sadd.s32 @!p0 $0x88, s6;
	s7 =	simm.s32 @p2 $0x1082  }
0x22: {  	[simem:s7], [sflag:s8] =	dma.local @!p0 [hbm:s6], $0xF7A  }
0x23: {  	s9 =	sor.u32 $0xD0000000, s2;
	s6 =	simm.s32 $0x108;
	_ =	swait.ge @!p0 [sflag:s8], $0x0  }
0x24: {  	s3 =	sadd.s32 $0x88, s3;
	s6 =	simm.s32 @!p1 $0x1082;
	[sflag:s4] =	ssyncset.s32 $0xFFFFF086  }
0x25: {  	[simem:s6], [sflag:s4] =	dma.local [hbm:s3], $0xF7A  }
0x26: {  	[smem:$0x3F9E] =	sst s1;
	(tag) =	ssettag s2;
	_ =	strace s9  }
0x27: {  	s1 =	sld [smem:$0x3FAE]  }
0x28: {  	s2 =	sld [smem:$0x3FAF]  }
0x29: {  	s4 =	sld [smem:$0x3FB1]  }
0x2a: {  	p0 =	seq.s32 s5, $0x0;
	s5 =	sld [smem:$0x3FB2]  }
0x2b: {  	s6 =	sld [smem:$0x3FB3]  }
0x2c: {  	s7 =	sld [smem:$0x3FB4]  }
0x2d: {  	s3 =	simm.s32 $0x108;
	s8 =	sld [smem:$0x3FB5]  }
0x2e: {  	s3 =	simm.s32 @!p0 $0x1082;
	s9 =	sld [smem:$0x3FB6]  }
0x2f: {  	lr =	sadd.s32 s0, s3;
	s0 =	sld [smem:$0x3FAD]  }
0x30: {  	s3 =	sld [smem:$0x3FB0]  }
0x31: {  	[smem:$0x3FB9] =	sst s10  }
0x32: {  	s10 =	sld [smem:$0x3FB7];
	_ =	sdelay $0x3  }
0x33: {  	p0 =	seq.s32 s10, $0x1;
	s10 =	sld [smem:$0x3FB9];
	_ =	sdelay $0x3  }
0x34: {  	[smem:$0x3FB9] =	sst s10  }
0x35: {  	s10 =	sld [smem:$0x3FB8];
	_ =	sdelay $0x3  }
0x36: {  	p1 =	seq.s32 s10, $0x1;
	s10 =	sld [smem:$0x3FB9];
	_ =	sdelay $0x3  }
0x37: {  	[smem:$0x3FB9] =	sst s10  }
0x38: {  	s10 =	sld [smem:$0x3FBA]  }
0x39: {  	_ = 	snop;
	(pc) =	sbr.ind lr, $3  }
0x3a: {  	_ = 	snop  }
0x3b: {  	_ = 	snop  }
0x3c: {  	p2 =	seq.s32 s10, $0x1;
	s10 =	sld [smem:$0x3FB9]  }
0x3d: {  	_ =	shalt  }
0x3e: {  	_ =	shalt  }
0x3f: {  	_ =	shalt  }
0x40: {  	_ =	shalt  }
0x41: {  	_ =	shalt  }
0x42: {  	_ =	shalt  }
0x43: {  	_ =	shalt  }
0x44: {  	_ =	shalt  }
0x45: {  	_ =	shalt  }
0x46: {  	_ =	shalt  }
0x47: {  	_ =	shalt  }
0x48: {  	_ =	shalt  }
0x49: {  	_ =	shalt  }
0x4a: {  	_ =	shalt  }
0x4b: {  	_ =	shalt  }
0x4c: {  	_ =	shalt  }
0x4d: {  	_ =	shalt  }
0x4e: {  	_ =	shalt  }
0x4f: {  	_ =	shalt  }
0x50: {  	_ =	shalt  }
0x51: {  	_ =	shalt  }
0x52: {  	_ =	shalt  }
0x53: {  	_ =	shalt  }
0x54: {  	_ =	shalt  }
0x55: {  	_ =	shalt  }
0x56: {  	_ =	shalt  }
0x57: {  	_ =	shalt  }
0x58: {  	_ =	shalt  }
0x59: {  	_ =	shalt  }
0x5a: {  	_ =	shalt  }
0x5b: {  	_ =	shalt  }
0x5c: {  	_ =	shalt  }
0x5d: {  	_ =	shalt  }
0x5e: {  	_ =	shalt  }
0x5f: {  	_ =	shalt  }
0x60: {  	_ =	shalt  }
0x61: {  	_ =	shalt  }
0x62: {  	_ =	shalt  }
0x63: {  	_ =	shalt  }
0x64: {  	_ =	shalt  }
0x65: {  	_ =	shalt  }
0x66: {  	_ =	shalt  }
0x67: {  	_ =	shalt  }
0x68: {  	_ =	shalt  }
0x69: {  	_ =	shalt  }
0x6a: {  	_ =	shalt  }
0x6b: {  	_ =	shalt  }
0x6c: {  	_ =	shalt  }
0x6d: {  	_ =	shalt  }
0x6e: {  	_ =	shalt  }
0x6f: {  	_ =	shalt  }
0x70: {  	_ =	shalt  }
0x71: {  	_ =	shalt  }
0x72: {  	_ =	shalt  }
0x73: {  	_ =	shalt  }
0x74: {  	_ =	shalt  }
0x75: {  	_ =	shalt  }
0x76: {  	_ =	shalt  }
0x77: {  	_ =	shalt  }
0x78: {  	_ =	shalt  }
0x79: {  	_ =	shalt  }
0x7a: {  	_ =	shalt  }
0x7b: {  	_ =	shalt  }
0x7c: {  	_ =	shalt  }
0x7d: {  	_ =	shalt  }
0x7e: {  	_ =	shalt  }
0x7f: {  	_ =	shalt  }
0x80: {  	_ =	shalt  }
0x81: {  	_ =	shalt  }
0x82: {  	_ =	shalt  }
0x83: {  	_ =	shalt  }
0x84: {  	_ =	shalt  }
0x85: {  	_ =	shalt  }
0x86: {  	_ =	shalt  }
0x87: {  	_ =	shalt  }
.Lfunc_end0:
.L_simem_size_0:
called_computation_lowered:
.L_overlay_start_0:
0x88: {  	s0 =	sld [smem:$0x3FD9]  }
0x89: {  	s1 =	sld [smem:$0x3FFE];
	_ =	sdelay $0x3  }
0x8a: {  	s0 =	sadd.s32 s1, s0  }
0x8b: {  	[smem:$0x3FC5] =	sst s0  }
0x8c: {  	_ = 	snop  }
0x8d: {  	s0 =	sld [smem:$0x3FD0]  }
0x8e: {  	s14 =	sld [smem:$0x3FC9]  }
0x8f: {  	s2 =	sld [smem:$0x3FC8]  }
0x90: {  	s4 =	simm.s32 $0xA;
	s5 =	simm.s32 $0x10;
	s3 =	sld [smem:$0x3FC7]  }
0x91: {  	[smem:s5], [sflag:s4] =	dma.local [hbm:s0], $0x1  }
0x92: {  	_ =	swait.eq [sflag:s4], $0x1  }
0x93: {  	[sflag:s4] =	ssyncset.done $0x0  }
0x94: {  	s15 =	sld [smem:$0x10];
	[sflag:s4] =	ssyncadd.s32 $0xFFFFFFFF  }
0x95: {  	s16 =	sld [smem:$0x11];
	(tm) =	ssettm $0x1  }
0x96: {  	s17 =	sld [smem:$0x3FFB];
	_ =	sdelay $0x3  }
0x97: {  	_ =	strace s17  }
0x98: {  	s5 =	sld [smem:$0x3FFC];
	_ =	sdelay $0x3  }
0x99: {  	_ =	strace s5  }
0x9a: {  	s5 =	sld [smem:$0x3FFD];
	_ =	sdelay $0x3  }
0x9b: {  	_ =	strace s5  }
0x9c: {  	_ =	strace $0x8FFFFFFF  }
0x9d: {  	s18 =	sld [smem:$0x3FDB];
	_ =	sdelay $0x1  }
0x9e: {  	s6 =	simm.s32 $_scs_section_size  }
0x9f: {  	s7 =	simm.s32 $_size__tile_overlayer_lowered;
	s8 =	simm.s32 $_tile_overlayer_lowered  }
0xa0: {  	s21 =	simm.s32 $0x1BFF;
	s20 =	sshll.u32 s8, $0x1;
	s5 =	sadd.s32 s6, s18  }
0xa1: {  	s9 =	simm.s32 $0x0;
	s19 =	sshll.u32 s7, $0x1;
	s7 =	sadd.s32 s20, s5  }
0xa2: {  	[timem:s9], [sflag:s21] =	dma.local [hbm:s7], s19  }
0xa3: {  	_ =	swait.ge [sflag:s21], s19  }
0xa4: {  	s6 =	ssub.s32 $0x0, s19;
	[sflag:s21] =	ssyncset.done $0x0  }
0xa5: {  	[sflag:s21] =	ssyncadd.s32 s6;
	_ =	sdelay $0x1  }
0xa6: {  	s22 =	simm.s32 $0x1B8B  }
0xa7: {  	_ =	swait.ge [sflag:s22], $0x1  }
0xa8: {  	[sflag:s22] =	ssyncset.done $0x0  }
0xa9: {  	s23 =	simm.s32 $0x1B8E;
	[sflag:s22] =	ssyncadd.s32 $0xFFFFFFFF  }
0xaa: {  	s24 =	simm.s32 $execute0_lowered;
	[smem:$0x3FD2] =	sst s23  }
0xab: {  	s6 =	sshll.u32 s24, $0x1;
	_ =	strace $0x80000046;
	[dreg:$0x1] =	wrdreg $0xFFFFFFFF  }
0xac: {  	s25 =	simm.s32 $_size_execute0_lowered;
	s5 =	sadd.s32 s5, s6;
	[dreg:$0x0] =	wrdreg $0x0  }
0xad: {  	s6 =	sshll.u32 s25, $0x1;
	[dreg:$0x2] =	wrdreg s5  }
0xae: {  	[dreg:$0x3] =	wrdreg s6  }
0xaf: {  	[dreg:$0x4] =	wrdreg $0xC0  }
0xb0: {  	_ =	task [dreg:s9], $0x5FFFF  }
0xb1: {  	[dreg:$0x1] =	wrdreg $0xFFFFFFFF  }
0xb2: {  	[dreg:$0x0] =	wrdreg $0x60  }
0xb3: {  	[dreg:$0x2] =	wrdreg s2  }
0xb4: {  	[dreg:$0x3] =	wrdreg s14  }
0xb5: {  	[dreg:$0x4] =	wrdreg s3  }
0xb6: {  	[dreg:$0x5] =	wrdreg s15  }
0xb7: {  	[dreg:$0x6] =	wrdreg s16  }
0xb8: {  	[dreg:$0x7] =	wrdreg $0x9  }
0xb9: {  	_ =	task.clear_ibuf [dreg:s9], $0x8FFFF;
	_ =	strace $0x90000046  }
0xba: {  	s26 =	simm.s32 $0x9;
	_ =	strace $0x80000048  }
0xbb: {  	_ =	swait.ge [sflag:s26], $0x1  }
0xbc: {  	[sflag:s26] =	ssyncadd.s32 $0xFFFFFFFF  }
0xbd: {  	_ =	strace $0x90000048  }
0xbe: {  	_ =	sfence  }
0xbf: {  	s28 =	sld [smem:$0x0];
	_ =	sdelay $0x1  }
0xc0: {  	s29 =	srdreg.scid  }
0xc1: {  	s30 =	sshll.u32 s29, $0xD;
	s31 =	sshrl.u32 s29, $0x2  }
0xc2: {  	s1 =	sand.u32 $0x1, s29;
	s2 =	sand.u32 $0x4000, s30;
	s0 =	sadd.s32 s31, s28  }
0xc3: {  	s1 =	sor.u32 s2, s1;
	s0 =	sshll.u32 s0, $0x11  }
0xc4: {  	s0 =	sor.u32 s0, s1  }
0xc5: {  	s0 =	sadd.s32 $0x8F2B, s0  }
0xc6: {  	[sflag:s0] =	ssyncadd.remote.s32 $0x1  }
0xc7: {  	_ =	sfence.sel $0xFFFF  }
0xc8: {  	[dreg:$0x0] =	wrdreg $0xFFFFFFFF;
	(pc) =	sbr.abs _section_cstart, $3  }
0xc9: {  	[dreg:$0x1] =	wrdreg $0xFFFFFFFF  }
0xca: {  	_ =	task.clear_ibuf [dreg:s9], $0x2FFFF;
	_ =	strace $0x9FFFFFFF  }
0xcb: {  	(tm) =	ssettm $0x7FFFFFFF  }
tec
execute0_lowered:
.L_overlay_start_1:
0x0: {  	(tag) =	ssettag $0x1  }
0x1: {  	s6 =	rddreg [dreg:$0x0]  }
0x2: {  	s3 =	rddreg [dreg:$0x1]  }
0x3: {  	s7 =	rddreg [dreg:$0x2]  }
0x4: {  	s2 =	rddreg [dreg:$0x3]  }
0x5: {  	s4 =	rddreg [dreg:$0x4]  }
0x6: {  	s0 =	rddreg [dreg:$0x5];
	s8 =	simm.s32 $0x0;
	s1 =	stileid.u32  }
0x7: {  	[smem:$0x7FF] =	sst s8;
	s5 =	sshll.u32 s1, $0x7  }
0x8: {  	s9 =	simm.s32 $0x400;
	_ =	strace $0x80000047;
	s3 =	sadd.s32 s3, s5  }
0x9: {  	[tilespmem:s9], [sflag:$0x3] =	stream.linear.gather [hbm4b:s3+s8], $0x400, $0x38;
	[tilespmem:$0x1000] =	vst v63  }
0xa: {  	s25 =	sadd.s32 s6, s5;
	s3 =	sor.u32 $0x40, s5  }
0xb: {  	[tilespmem:s8], [sflag:$0x1] =	stream.linear.gather [hbm4b:s25+s8], $0x200, $0x38;
	[tilespmem:$0x1000] =	vst v63  }
0xc: {  	s26 =	simm.s32 $0x200;
	s28 =	simm.s32 $0x1;
	s6 =	sadd.s32 s6, s3  }
0xd: {  	[tilespmem:s26], [sflag:$0x2] =	stream.linear.gather [hbm4b:s6+s8], $0x200, $0x38;
	[tilespmem:$0x1000] =	vst v63  }
0xe: {  	_ =	swait.ge [sflag:s28], $0x200  }
0xf: {  	[sflag:s28] =	ssyncset.done $0x0  }
0x10: {  	s10 =	simm.s32 $0x800;
	s11 =	simm.s32 $0x2;
	[sflag:s28] =	ssyncadd.s32 $0xFFFFFE00  }
0x11: {  	[tilespmem:s10], [sflag:$0x1] =	stream.indirect.gather [hbm4b:s7+s26], $0x1, s8, s26, $0xb8;
	[tilespmem:$0x1000] =	vst v63  }
0x12: {  	_ =	swait.ge [sflag:s11], $0x200  }
0x13: {  	[sflag:s11] =	ssyncset.done $0x0  }
0x14: {  	s29 =	simm.s32 $0xA00;
	s30 =	simm.s32 $0x3;
	[sflag:s11] =	ssyncadd.s32 $0xFFFFFE00  }
0x15: {  	[tilespmem:s29], [sflag:$0x2] =	stream.indirect.gather [hbm4b:s7+s26], $0x1, s26, s26, $0xb8;
	[tilespmem:$0x1000] =	vst v63  }
0x16: {  	_ =	swait.ge [sflag:s30], $0x400  }
0x17: {  	[sflag:s30] =	ssyncset.done $0x0  }
0x18: {  	[sflag:s30] =	ssyncadd.s32 $0xFFFFFC00  }
0x19: {  	_ =	swait.ge [sflag:s28], $0x200  }
0x1a: {  	[sflag:s28] =	ssyncset.done $0x0  }
0x1b: {  	s31 =	sadd.s32 s4, s5;
	s6 =	simm.s32 $0x0;
	[sflag:s28] =	ssyncadd.s32 $0xFFFFFE00  }
0x1c: {  	[hbm4b:s31+s8] =	stream.linear.scatter [tilespmem:s10], [sflag:$0x4], $0x200, $0x38;
	[tilespmem:$0x1000] =	vst v63  }
0x1d: {  	v0 =	vld [tilespmem:s6+$0x800]  }
0x1e: {  	s7 =	simm.s32 $0x40;
	v1 =	vld [tilespmem:s6+$0x400]  }
.LBB2_1:
0x1f: {  	_ = 	snop  }
0x20: {  	p0 =	sne.s32 s7, $0x7C0  }
.Ltmp0:
0x21: {  	_ = 	snop;
	(pc) =	sbr.rel @p0 .LBB2_1-.Ltmp0, $4  }
0x22: {  	_ = 	snop  }
0x23: {  	s8 =	sshra.s32 s7, $0x2;
	v2 =	vmul.f32 v1, v0  }
0x24: {  	v0 =	vld [tilespmem:s8+$0x800]  }
0x25: {  	s7 =	sadd.s32 $0x40, s7;
	v1 =	vld [tilespmem:s8+$0x400];
	[tilespmem:s6+$0xC00] =	vst v2;
	s6 =	smov.u32 s8  }
0x26: {  	_ =	sdelay $0x3  }
0x27: {  	v0 =	vmul.f32 v1, v0  }
0x28: {  	s5 =	sadd.s32 s2, s5  }
0x29: {  	s29 =	simm.s32 $0x0;
	s7 =	simm.s32 $0xC00;
	s30 =	simm.s32 $0x2;
	[tilespmem:s6+$0xC00] =	vst v0  }
0x2a: {  	[hbm4b:s5+s29] =	stream.linear.scatter [tilespmem:s7], [sflag:$0x4], $0x200, $0x38;
	[tilespmem:$0x1000] =	vst v63  }
0x2b: {  	_ =	swait.ge [sflag:s30], $0x200  }
0x2c: {  	[sflag:s30] =	ssyncset.done $0x0  }
0x2d: {  	s4 =	sadd.s32 s4, s3;
	s31 =	simm.s32 $0xA00;
	[sflag:s30] =	ssyncadd.s32 $0xFFFFFE00  }
0x2e: {  	[hbm4b:s4+s29] =	stream.linear.scatter [tilespmem:s31], [sflag:$0x4], $0x200, $0x38;
	[tilespmem:$0x1000] =	vst v63  }
0x2f: {  	s4 =	simm.s32 $0x0  }
0x30: {  	v0 =	vld [tilespmem:s4+$0xA00]  }
0x31: {  	s5 =	simm.s32 $0x40;
	v1 =	vld [tilespmem:s4+$0x600]  }
.LBB2_3:
0x32: {  	_ = 	snop  }
0x33: {  	p0 =	sne.s32 s5, $0x7C0  }
.Ltmp1:
0x34: {  	_ = 	snop;
	(pc) =	sbr.rel @p0 .LBB2_3-.Ltmp1, $4  }
0x35: {  	_ = 	snop  }
0x36: {  	s6 =	sshra.s32 s5, $0x2;
	v2 =	vmul.f32 v1, v0  }
0x37: {  	v0 =	vld [tilespmem:s6+$0xA00]  }
0x38: {  	s5 =	sadd.s32 $0x40, s5;
	v1 =	vld [tilespmem:s6+$0x600];
	[tilespmem:s4+$0xE00] =	vst v2;
	s4 =	smov.u32 s6  }
0x39: {  	_ =	sdelay $0x3  }
0x3a: {  	v0 =	vmul.f32 v1, v0  }
0x3b: {  	s2 =	sadd.s32 s2, s3  }
0x3c: {  	s29 =	simm.s32 $0x0;
	s30 =	simm.s32 $0xE00;
	s31 =	simm.s32 $0x4;
	[tilespmem:s4+$0xE00] =	vst v0  }
0x3d: {  	[hbm4b:s2+s29] =	stream.linear.scatter [tilespmem:s30], [sflag:$0x4], $0x200, $0x38;
	[tilespmem:$0x1000] =	vst v63  }
0x3e: {  	_ =	swait.ge [sflag:s31], $0x200  }
0x3f: {  	[sflag:s31] =	ssyncset.done $0x0  }
0x40: {  	[sflag:s31] =	ssyncadd.s32 $0xFFFFFE00  }
0x41: {  	_ =	swait.ge [sflag:s31], $0x200  }
0x42: {  	[sflag:s31] =	ssyncset.done $0x0  }
0x43: {  	[sflag:s31] =	ssyncadd.s32 $0xFFFFFE00  }
0x44: {  	_ =	swait.ge [sflag:s31], $0x200  }
0x45: {  	[sflag:s31] =	ssyncset.done $0x0  }
0x46: {  	[sflag:s31] =	ssyncadd.s32 $0xFFFFFE00  }
0x47: {  	_ =	swait.ge [sflag:s31], $0x200  }
0x48: {  	[sflag:s31] =	ssyncset.done $0x0  }
0x49: {  	[sflag:s31] =	ssyncadd.s32 $0xFFFFFE00  }
0x4a: {  	_ =	sfence.sel $0x180000  }
0x4b: {  	[bflag:$0x0] =	sbarrier.arrive $0xFFFF  }
0x4c: {  	p0 =	sne.s32 s1, $0x0;
	_ =	strace $0x90000047  }
0x4d: {  	s0 =	sadd.s32 @!p0 $0x100000, s0;
	[bflag:$0x2] =	sbarrier.arrive $0xFFFF  }
0x4e: {  	[sflag:s0] =	ssyncadd.tile.s32 @!p0 $0x1;
	_ =	shalt  }
.Lfunc_end2:
_tile_overlayer_lowered:
.L_overlay_start_2:
0x4f: {  	(tag) =	ssettag $0x2  }
0x50: {  	s0 =	rddreg [dreg:$0x0];
	s2 =	stileid.u32  }
0x51: {  	s1 =	rddreg [dreg:$0x1];
	p0 =	sne.s32 s2, $0x0  }
0x52: {  	s3 =	rddreg [dreg:$0x2];
	[bflag:$0x3] =	sbarrier.arrive $0xFFFF;
	s2 =	simm.s32 @!p0 $0x1C05  }
0x53: {  	[timem:s3], [sflag:s2] =	dma.local @!p0 [hbm:s0], s1  }
0x54: {  	s0 =	simm.s32 @!p0 $0x5  }
0x55: {  	_ =	swait.ge @!p0 [sflag:s0], s1  }
0x56: {  	s1 =	ssub.s32 @!p0 $0x0, s1;
	[sflag:s0] =	ssyncset.done @!p0 $0x0  }
0x57: {  	[sflag:s0] =	ssyncadd.s32 @!p0 s1  }
0x58: {  	[bflag:$0x3] =	sbarrier.arrive $0xFFFF  }
0x59: {  	_ =	shalt  }

</sc_bundles>
